<compile_context>
chip_gen: v7x
topology: tpu7x:2x2x1
jax: 0.10.2.dev20260603
libtpu: 0.0.44.dev20260713+nightly
codegen_flags: <defaults>
</compile_context>

<pallas_src>
import functools

import jax
import jax.numpy as jnp
from jax import lax
from jax.experimental import pallas as pl
from jax.experimental.pallas import tpu as pltpu
from jax.experimental.pallas import tpu_sc as plsc

N = 50000
D = 256
G = 128
NW = 32
CH = 1600
NWIN = CH // 16
STRIDE = 129
TBL = 16 * STRIDE
PW = 3 * G
LAST_BASE = N - CH
LAST_LO = (NW - 1) * CH

MV_TILE = 10240


def _mv_body(w_ref, x_ref, y1_ref, y2_ref):
    x = x_ref[...]
    w = w_ref[...].reshape(2, D)
    y = lax.dot_general(
        w, x, (((1,), (1,)), ((), ())),
        preferred_element_type=jnp.float32)
    y1_ref[...] = y[0]
    y2_ref[...] = y[1]


def _matvec(w, x):
    return pl.pallas_call(
        _mv_body,
        grid=(pl.cdiv(N, MV_TILE),),
        in_specs=[
            pl.BlockSpec((1, 2 * D), lambda i: (0, 0)),
            pl.BlockSpec((MV_TILE, D), lambda i: (i, 0)),
        ],
        out_specs=[
            pl.BlockSpec((MV_TILE,), lambda i: (i,)),
            pl.BlockSpec((MV_TILE,), lambda i: (i,)),
        ],
        out_shape=[
            jax.ShapeDtypeStruct((N,), jnp.float32),
            jax.ShapeDtypeStruct((N,), jnp.float32),
        ],
    )(w, x)


def _sc_body(y1, y2, ids, out, y1v, y2v, idv, a1, a2, ac, pv):
    c = lax.axis_index("c")
    s = lax.axis_index("s")
    wid = s * 2 + c
    is_last = wid == NW - 1
    base = jnp.where(is_last, LAST_BASE, wid * CH)
    lo = jnp.where(is_last, LAST_LO, 0)

    pltpu.sync_copy(y1.at[pl.ds(base, CH)], y1v)
    pltpu.sync_copy(y2.at[pl.ds(base, CH)], y2v)
    pltpu.sync_copy(ids.at[pl.ds(base, CH)], idv)

    zero = jnp.zeros((16,), jnp.float32)

    def zbody(i, _):
        a1[pl.ds(i * 16, 16)] = zero
        a2[pl.ds(i * 16, 16)] = zero
        ac[pl.ds(i * 16, 16)] = zero
        return 0

    lax.fori_loop(0, TBL // 16, zbody, 0)

    lane = lax.iota(jnp.int32, 16)

    def body(i, _):
        off = i * 16
        seg = idv[pl.ds(off, 16)]
        gidx = base + off + lane
        valid = gidx >= lo
        v1 = jnp.where(valid, y1v[pl.ds(off, 16)], 0.0)
        v2 = jnp.where(valid, y2v[pl.ds(off, 16)], 0.0)
        vc = jnp.where(valid, 1.0, 0.0)
        fidx = lane * STRIDE + seg
        plsc.addupdate_scatter(a1, [fidx], v1)
        plsc.addupdate_scatter(a2, [fidx], v2)
        plsc.addupdate_scatter(ac, [fidx], vc)
        return 0

    lax.fori_loop(0, NWIN, body, 0)

    def fold(g, tbl, poff):
        def lstep(l, acc):
            return acc + plsc.load_gather(tbl, [lane + (l * STRIDE + g * 16)])

        pv[pl.ds(poff + g * 16, 16)] = lax.fori_loop(0, 16, lstep, zero)
        return 0

    def fbody(g, _):
        fold(g, a1, 0)
        fold(g, a2, G)
        fold(g, ac, 2 * G)
        return 0

    lax.fori_loop(0, G // 16, fbody, 0)

    pltpu.sync_copy(pv, out.at[pl.ds(wid * PW, PW)])


def _sc_partials(y1, y2, ids32):
    mesh = plsc.VectorSubcoreMesh(core_axis_name="c", subcore_axis_name="s")
    f = functools.partial(
        pl.kernel,
        out_type=jax.ShapeDtypeStruct((NW * PW,), jnp.float32),
        mesh=mesh,
        compiler_params=pltpu.CompilerParams(needs_layout_passes=False),
        scratch_types=[
            pltpu.VMEM((CH,), jnp.float32),
            pltpu.VMEM((CH,), jnp.float32),
            pltpu.VMEM((CH,), jnp.int32),
            pltpu.VMEM((TBL,), jnp.float32),
            pltpu.VMEM((TBL,), jnp.float32),
            pltpu.VMEM((TBL,), jnp.float32),
            pltpu.VMEM((PW,), jnp.float32),
        ],
    )(_sc_body)
    return f(y1, y2, ids32)


def _fin_body(b_ref, p_ref, o_ref):
    t = p_ref[pl.ds(0, PW)]
    for w in range(1, NW):
        t = t + p_ref[pl.ds(w * PW, PW)]
    s1 = t[:G]
    s2 = t[G:2 * G]
    cnt = t[2 * G:]
    o_ref[...] = s1 + s2 / jnp.maximum(cnt, 1.0) + b_ref[0]


def _finalize(partials, b):
    return pl.pallas_call(
        _fin_body,
        in_specs=[
            pl.BlockSpec(memory_space=pltpu.SMEM),
            pl.BlockSpec((NW * PW,), lambda: (0,)),
        ],
        out_specs=pl.BlockSpec((G,), lambda: (0,)),
        out_shape=jax.ShapeDtypeStruct((G,), jnp.float32),
    )(b, partials)


def kernel(x, edge_index_connections, edge_index_destinations, batch, W, b):
    del edge_index_connections, edge_index_destinations
    y1, y2 = _matvec(W, x)
    ids32 = batch.astype(jnp.int32)
    partials = _sc_partials(y1, y2, ids32)
    out = _finalize(partials, b)
    return out.reshape(G, 1)

# --- scband reference (transcript-rebuilt; emitter-appended) ---
"""Pipeline reference for scband-value-net-33870112096848 (READ-ONLY COPY).

The authoritative reference and input builder live on the scoring server;
editing this copy changes nothing except your own understanding.
"""

import jax, jax.numpy as jnp
import numpy as np

NUM_GRAPHS = 128

def setup_inputs(seed: int = 0) -> dict:
    key = jax.random.key(seed)
    k1, k2, k3, k4, k5, k6 = jax.random.split(key, 6)
    N = 50000
    D = 256
    E = 1600000
    x = jax.random.normal(k1, (N, D), dtype=jnp.float32)
    edge_index_connections = jax.random.randint(k2, (E,), 0, N, dtype=jnp.int64)
    edge_index_destinations = jax.random.randint(k3, (E,), 0, N, dtype=jnp.int64)
    batch = jnp.sort(jax.random.randint(k4, (N,), 0, NUM_GRAPHS, dtype=jnp.int64))
    # Linear(hidden_neurons*2 -> 1) parameters
    fan_in = D * 2
    bound = 1.0 / np.sqrt(fan_in)
    W = jax.random.uniform(k5, (1, fan_in), dtype=jnp.float32, minval=-bound, maxval=bound)
    b = jax.random.uniform(k6, (1,), dtype=jnp.float32, minval=-bound, maxval=bound)
    return {"x": x, "edge_index_connections": edge_index_connections, "edge_index_destinations": edge_index_destinations, "batch": batch, "W": W, "b": b}

def reference(x, edge_index_connections, edge_index_destinations, batch, W, b):
    # global_add_pool
    x1 = jax.ops.segment_sum(x, batch, num_segments=NUM_GRAPHS)
    # global_mean_pool
    counts = jax.ops.segment_sum(jnp.ones((x.shape[0],), dtype=x.dtype), batch, num_segments=NUM_GRAPHS)
    x2 = x1 / jnp.maximum(counts, 1.0)[:, None]
    xc = jnp.concatenate((x1, x2), axis=1)
    out = xc @ W.T + b
    return out

if __name__ == "__main__":
    import jax
    _d = setup_inputs()
    print(jax.jit(kernel)(*tuple(_d.values())))

</pallas_src>

<mosaic_0001>
#map = affine_map<(d0, d1) -> (0)>
module attributes {stable_mosaic.version = 14 : i64} {
  func.func @_sc_body(%arg0: i32, %arg1: i32, %arg2: memref<50000xf32, #tpu.memory_space<hbm>>, %arg3: memref<50000xf32, #tpu.memory_space<hbm>>, %arg4: memref<50000xi32, #tpu.memory_space<hbm>>, %arg5: memref<12288xf32, #tpu.memory_space<hbm>>, %arg6: memref<1600xf32, #tpu.memory_space<vmem>>, %arg7: memref<1600xf32, #tpu.memory_space<vmem>>, %arg8: memref<1600xi32, #tpu.memory_space<vmem>>, %arg9: memref<2064xf32, #tpu.memory_space<vmem>>, %arg10: memref<2064xf32, #tpu.memory_space<vmem>>, %arg11: memref<2064xf32, #tpu.memory_space<vmem>>, %arg12: memref<384xf32, #tpu.memory_space<vmem>>) attributes {dimension_semantics = [#tpu.dimension_semantics<core_parallel>, #tpu.dimension_semantics<subcore_parallel>], iteration_bounds = array<i64: 2, 16>, scalar_prefetch = 0 : i64, scratch_operands = 7 : i64, tpu.core_type = #tpu.core_type<sc_vector_subcore>, window_params = [{transform_indices = #map}, {transform_indices = #map}, {transform_indices = #map}, {transform_indices = #map}]} {
    %mul3A = arith.constant 2 : i32
    %mul3A_0 = arith.muli %arg1, %mul3A : i32
    %add3A = arith.addi %mul3A_0, %arg0 : i32
    %eq3A = arith.constant 31 : i32
    %eq3A_1 = arith.cmpi eq, %add3A, %eq3A : i32
    %mul3A_2 = arith.constant 1600 : i32
    %mul3A_3 = arith.muli %add3A, %mul3A_2 : i32
    %jit3A = arith.constant 48400 : i32
    %select_n3A = arith.select %eq3A_1, %jit3A, %mul3A_3 : i32
    %jit3A_4 = arith.constant 49600 : i32
    %jit3A_5 = arith.constant 0 : i32
    %select_n3A_6 = arith.select %eq3A_1, %jit3A_4, %jit3A_5 : i32
    "tpu.region"() ({
      %run_scoped3A = tpu.sem_alloc : memref<!tpu.dma_semaphore, #tpu.memory_space<semaphore_mem>>
      %dma_start3A = tpu.memref_slice %arg2[%select_n3A] : memref<50000xf32, #tpu.memory_space<hbm>> -> memref<1600xf32, #tpu.memory_space<hbm>>
      %dma_start3A_30 = tpu.memref_slice %arg2[%select_n3A] : memref<50000xf32, #tpu.memory_space<hbm>> -> memref<1600xf32, #tpu.memory_space<hbm>>
      tpu.enqueue_dma source(%dma_start3A_30 : memref<1600xf32, #tpu.memory_space<hbm>>) target(%arg6 : memref<1600xf32, #tpu.memory_space<vmem>>) target_semaphore(%run_scoped3A : memref<!tpu.dma_semaphore, #tpu.memory_space<semaphore_mem>>)
      %dma_wait3A = tpu.memref_slice %arg2[%select_n3A] : memref<50000xf32, #tpu.memory_space<hbm>> -> memref<1600xf32, #tpu.memory_space<hbm>>
      %dma_wait3A_31 = tpu.memref_slice %arg2[%select_n3A] : memref<50000xf32, #tpu.memory_space<hbm>> -> memref<1600xf32, #tpu.memory_space<hbm>>
      tpu.wait_dma2 semaphore(%run_scoped3A : memref<!tpu.dma_semaphore, #tpu.memory_space<semaphore_mem>>) src(%dma_wait3A_31 : memref<1600xf32, #tpu.memory_space<hbm>>) dst(%arg6 : memref<1600xf32, #tpu.memory_space<vmem>>)
      tpu.yield
    }) : () -> ()
    "tpu.region"() ({
      %run_scoped3A = tpu.sem_alloc : memref<!tpu.dma_semaphore, #tpu.memory_space<semaphore_mem>>
      %dma_start3A = tpu.memref_slice %arg3[%select_n3A] : memref<50000xf32, #tpu.memory_space<hbm>> -> memref<1600xf32, #tpu.memory_space<hbm>>
      %dma_start3A_30 = tpu.memref_slice %arg3[%select_n3A] : memref<50000xf32, #tpu.memory_space<hbm>> -> memref<1600xf32, #tpu.memory_space<hbm>>
      tpu.enqueue_dma source(%dma_start3A_30 : memref<1600xf32, #tpu.memory_space<hbm>>) target(%arg7 : memref<1600xf32, #tpu.memory_space<vmem>>) target_semaphore(%run_scoped3A : memref<!tpu.dma_semaphore, #tpu.memory_space<semaphore_mem>>)
      %dma_wait3A = tpu.memref_slice %arg3[%select_n3A] : memref<50000xf32, #tpu.memory_space<hbm>> -> memref<1600xf32, #tpu.memory_space<hbm>>
      %dma_wait3A_31 = tpu.memref_slice %arg3[%select_n3A] : memref<50000xf32, #tpu.memory_space<hbm>> -> memref<1600xf32, #tpu.memory_space<hbm>>
      tpu.wait_dma2 semaphore(%run_scoped3A : memref<!tpu.dma_semaphore, #tpu.memory_space<semaphore_mem>>) src(%dma_wait3A_31 : memref<1600xf32, #tpu.memory_space<hbm>>) dst(%arg7 : memref<1600xf32, #tpu.memory_space<vmem>>)
      tpu.yield
    }) : () -> ()
    "tpu.region"() ({
      %run_scoped3A = tpu.sem_alloc : memref<!tpu.dma_semaphore, #tpu.memory_space<semaphore_mem>>
      %dma_start3A = tpu.memref_slice %arg4[%select_n3A] : memref<50000xi32, #tpu.memory_space<hbm>> -> memref<1600xi32, #tpu.memory_space<hbm>>
      %dma_start3A_30 = tpu.memref_slice %arg4[%select_n3A] : memref<50000xi32, #tpu.memory_space<hbm>> -> memref<1600xi32, #tpu.memory_space<hbm>>
      tpu.enqueue_dma source(%dma_start3A_30 : memref<1600xi32, #tpu.memory_space<hbm>>) target(%arg8 : memref<1600xi32, #tpu.memory_space<vmem>>) target_semaphore(%run_scoped3A : memref<!tpu.dma_semaphore, #tpu.memory_space<semaphore_mem>>)
      %dma_wait3A = tpu.memref_slice %arg4[%select_n3A] : memref<50000xi32, #tpu.memory_space<hbm>> -> memref<1600xi32, #tpu.memory_space<hbm>>
      %dma_wait3A_31 = tpu.memref_slice %arg4[%select_n3A] : memref<50000xi32, #tpu.memory_space<hbm>> -> memref<1600xi32, #tpu.memory_space<hbm>>
      tpu.wait_dma2 semaphore(%run_scoped3A : memref<!tpu.dma_semaphore, #tpu.memory_space<semaphore_mem>>) src(%dma_wait3A_31 : memref<1600xi32, #tpu.memory_space<hbm>>) dst(%arg8 : memref<1600xi32, #tpu.memory_space<vmem>>)
      tpu.yield
    }) : () -> ()
    %broadcast_in_dim3A = arith.constant 0.000000e+00 : f32
    %broadcast_in_dim3A_7 = vector.broadcast %broadcast_in_dim3A : f32 to vector<16xf32>
    %scan3A = arith.constant 0 : i32
    %scan3A_8 = arith.constant 0 : i32
    %scan3A_9 = arith.constant 129 : i32
    %scan3A_10 = arith.addi %scan3A_8, %scan3A_9 : i32
    %scan3A_11 = arith.constant 1 : i32
    %scan3A_12 = scf.for %scan3A_30 = %scan3A_8 to %scan3A_10 step %scan3A_11 iter_args(%scan3A_31 = %scan3A) -> (i32)  : i32 {
      %mul3A_32 = arith.constant 16 : i32
      %mul3A_33 = arith.muli %scan3A_30, %mul3A_32 : i32
      %swap3A = arith.index_cast %mul3A_33 : i32 to index
      %swap3A_34 = tpu.vector_load %arg9[%swap3A] {strides = array<i32>} : memref<2064xf32, #tpu.memory_space<vmem>>, vector<16xf32>,
      tpu.vector_store %arg9[%swap3A], %broadcast_in_dim3A_7 {strides = array<i32>} : memref<2064xf32, #tpu.memory_space<vmem>>, vector<16xf32>,
      %mul3A_35 = arith.constant 16 : i32
      %mul3A_36 = arith.muli %scan3A_30, %mul3A_35 : i32
      %swap3A_37 = arith.index_cast %mul3A_36 : i32 to index
      %swap3A_38 = tpu.vector_load %arg10[%swap3A_37] {strides = array<i32>} : memref<2064xf32, #tpu.memory_space<vmem>>, vector<16xf32>,
      tpu.vector_store %arg10[%swap3A_37], %broadcast_in_dim3A_7 {strides = array<i32>} : memref<2064xf32, #tpu.memory_space<vmem>>, vector<16xf32>,
      %mul3A_39 = arith.constant 16 : i32
      %mul3A_40 = arith.muli %scan3A_30, %mul3A_39 : i32
      %swap3A_41 = arith.index_cast %mul3A_40 : i32 to index
      %swap3A_42 = tpu.vector_load %arg11[%swap3A_41] {strides = array<i32>} : memref<2064xf32, #tpu.memory_space<vmem>>, vector<16xf32>,
      tpu.vector_store %arg11[%swap3A_41], %broadcast_in_dim3A_7 {strides = array<i32>} : memref<2064xf32, #tpu.memory_space<vmem>>, vector<16xf32>,
      %scan3A_43 = arith.constant 0 : i32
      scf.yield %scan3A_43 : i32
    }
    %scan3A_13 = arith.constant 129 : i32
    %iota3A = tpu.iota {dimensions = array<i32: 0>} : vector<16xi32>
    %scan3A_14 = arith.constant 0 : i32
    %scan3A_15 = arith.constant 0 : i32
    %scan3A_16 = arith.constant 100 : i32
    %scan3A_17 = arith.addi %scan3A_15, %scan3A_16 : i32
    %scan3A_18 = arith.constant 1 : i32
    %scan3A_19 = scf.for %scan3A_30 = %scan3A_15 to %scan3A_17 step %scan3A_18 iter_args(%scan3A_31 = %scan3A_14) -> (i32)  : i32 {
      %mul3A_32 = arith.constant 16 : i32
      %mul3A_33 = arith.muli %scan3A_30, %mul3A_32 : i32
      %get3A = arith.index_cast %mul3A_33 : i32 to index
      %get3A_34 = tpu.vector_load %arg8[%get3A] {strides = array<i32>} : memref<1600xi32, #tpu.memory_space<vmem>>, vector<16xi32>,
      %add3A_35 = arith.addi %select_n3A, %mul3A_33 : i32
      %add3A_36 = vector.broadcast %add3A_35 : i32 to vector<16xi32>
      %add3A_37 = arith.addi %add3A_36, %iota3A : vector<16xi32>
      %ge3A = vector.broadcast %select_n3A_6 : i32 to vector<16xi32>
      %ge3A_38 = arith.cmpi sge, %add3A_37, %ge3A : vector<16xi32>
      %get3A_39 = arith.index_cast %mul3A_33 : i32 to index
      %get3A_40 = tpu.vector_load %arg6[%get3A_39] {strides = array<i32>} : memref<1600xf32, #tpu.memory_space<vmem>>, vector<16xf32>,
      %jit3A_41 = arith.constant 0.000000e+00 : f32
      %broadcast_in_dim3A_42 = vector.broadcast %jit3A_41 : f32 to vector<16xf32>
      %select_n3A_43 = arith.select %ge3A_38, %get3A_40, %broadcast_in_dim3A_42 : vector<16xi1>, vector<16xf32>
      %get3A_44 = arith.index_cast %mul3A_33 : i32 to index
      %get3A_45 = tpu.vector_load %arg7[%get3A_44] {strides = array<i32>} : memref<1600xf32, #tpu.memory_space<vmem>>, vector<16xf32>,
      %jit3A_46 = arith.constant 0.000000e+00 : f32
      %broadcast_in_dim3A_47 = vector.broadcast %jit3A_46 : f32 to vector<16xf32>
      %select_n3A_48 = arith.select %ge3A_38, %get3A_45, %broadcast_in_dim3A_47 : vector<16xi1>, vector<16xf32>
      %jit3A_49 = arith.constant 1.000000e+00 : f32
      %jit3A_50 = arith.constant 0.000000e+00 : f32
      %broadcast_in_dim3A_51 = vector.broadcast %jit3A_49 : f32 to vector<16xf32>
      %broadcast_in_dim3A_52 = vector.broadcast %jit3A_50 : f32 to vector<16xf32>
      %select_n3A_53 = arith.select %ge3A_38, %broadcast_in_dim3A_51, %broadcast_in_dim3A_52 : vector<16xi1>, vector<16xf32>
      %mul3A_54 = arith.constant 129 : i32
      %mul3A_55 = vector.broadcast %mul3A_54 : i32 to vector<16xi32>
      %mul3A_56 = arith.muli %iota3A, %mul3A_55 : vector<16xi32>
      %add3A_57 = arith.addi %mul3A_56, %get3A_34 : vector<16xi32>
      tpu.vector_store_idx %arg9[%add3A_57], %select_n3A_43 {add = true} : memref<2064xf32, #tpu.memory_space<vmem>>[vector<16xi32>], vector<16xf32>,
      tpu.vector_store_idx %arg10[%add3A_57], %select_n3A_48 {add = true} : memref<2064xf32, #tpu.memory_space<vmem>>[vector<16xi32>], vector<16xf32>,
      tpu.vector_store_idx %arg11[%add3A_57], %select_n3A_53 {add = true} : memref<2064xf32, #tpu.memory_space<vmem>>[vector<16xi32>], vector<16xf32>,
      %scan3A_58 = arith.constant 0 : i32
      scf.yield %scan3A_58 : i32
    }
    %scan3A_20 = arith.constant 100 : i32
    %scan3A_21 = arith.constant 0 : i32
    %scan3A_22 = arith.constant 0 : i32
    %scan3A_23 = arith.constant 8 : i32
    %scan3A_24 = arith.addi %scan3A_22, %scan3A_23 : i32
    %scan3A_25 = arith.constant 1 : i32
    %scan3A_26 = scf.for %scan3A_30 = %scan3A_22 to %scan3A_24 step %scan3A_25 iter_args(%scan3A_31 = %scan3A_21) -> (i32)  : i32 {
      %scan3A_32 = arith.constant 0 : i32
      %scan3A_33 = arith.constant 16 : i32
      %scan3A_34 = arith.addi %scan3A_32, %scan3A_33 : i32
      %scan3A_35 = arith.constant 1 : i32
      %scan3A_36 = scf.for %scan3A_68 = %scan3A_32 to %scan3A_34 step %scan3A_35 iter_args(%scan3A_69 = %broadcast_in_dim3A_7) -> (vector<16xf32>)  : i32 {
        %mul3A_70 = arith.constant 129 : i32
        %mul3A_71 = arith.muli %scan3A_68, %mul3A_70 : i32
        %mul3A_72 = arith.constant 16 : i32
        %mul3A_73 = arith.muli %scan3A_30, %mul3A_72 : i32
        %add3A_74 = arith.addi %mul3A_71, %mul3A_73 : i32
        %add3A_75 = vector.broadcast %add3A_74 : i32 to vector<16xi32>
        %add3A_76 = arith.addi %iota3A, %add3A_75 : vector<16xi32>
        %gather3A = tpu.vector_load_idx %arg9[%add3A_76] : memref<2064xf32, #tpu.memory_space<vmem>>[vector<16xi32>], vector<16xf32>,
        %add3A_77 = arith.addf %scan3A_69, %gather3A : vector<16xf32>
        scf.yield %add3A_77 : vector<16xf32>
      }
      %scan3A_37 = arith.constant 16 : i32
      %mul3A_38 = arith.constant 16 : i32
      %mul3A_39 = arith.muli %scan3A_30, %mul3A_38 : i32
      %add3A_40 = arith.constant 0 : i32
      %add3A_41 = arith.addi %add3A_40, %mul3A_39 : i32
      %swap3A = arith.index_cast %add3A_41 : i32 to index
      %swap3A_42 = tpu.vector_load %arg12[%swap3A] {strides = array<i32>} : memref<384xf32, #tpu.memory_space<vmem>>, vector<16xf32>,
      tpu.vector_store %arg12[%swap3A], %scan3A_36 {strides = array<i32>} : memref<384xf32, #tpu.memory_space<vmem>>, vector<16xf32>,
      %scan3A_43 = arith.constant 0 : i32
      %scan3A_44 = arith.constant 16 : i32
      %scan3A_45 = arith.addi %scan3A_43, %scan3A_44 : i32
      %scan3A_46 = arith.constant 1 : i32
      %scan3A_47 = scf.for %scan3A_68 = %scan3A_43 to %scan3A_45 step %scan3A_46 iter_args(%scan3A_69 = %broadcast_in_dim3A_7) -> (vector<16xf32>)  : i32 {
        %mul3A_70 = arith.constant 129 : i32
        %mul3A_71 = arith.muli %scan3A_68, %mul3A_70 : i32
        %mul3A_72 = arith.constant 16 : i32
        %mul3A_73 = arith.muli %scan3A_30, %mul3A_72 : i32
        %add3A_74 = arith.addi %mul3A_71, %mul3A_73 : i32
        %add3A_75 = vector.broadcast %add3A_74 : i32 to vector<16xi32>
        %add3A_76 = arith.addi %iota3A, %add3A_75 : vector<16xi32>
        %gather3A = tpu.vector_load_idx %arg10[%add3A_76] : memref<2064xf32, #tpu.memory_space<vmem>>[vector<16xi32>], vector<16xf32>,
        %add3A_77 = arith.addf %scan3A_69, %gather3A : vector<16xf32>
        scf.yield %add3A_77 : vector<16xf32>
      }
      %scan3A_48 = arith.constant 16 : i32
      %mul3A_49 = arith.constant 16 : i32
      %mul3A_50 = arith.muli %scan3A_30, %mul3A_49 : i32
      %add3A_51 = arith.constant 128 : i32
      %add3A_52 = arith.addi %add3A_51, %mul3A_50 : i32
      %swap3A_53 = arith.index_cast %add3A_52 : i32 to index
      %swap3A_54 = tpu.vector_load %arg12[%swap3A_53] {strides = array<i32>} : memref<384xf32, #tpu.memory_space<vmem>>, vector<16xf32>,
      tpu.vector_store %arg12[%swap3A_53], %scan3A_47 {strides = array<i32>} : memref<384xf32, #tpu.memory_space<vmem>>, vector<16xf32>,
      %scan3A_55 = arith.constant 0 : i32
      %scan3A_56 = arith.constant 16 : i32
      %scan3A_57 = arith.addi %scan3A_55, %scan3A_56 : i32
      %scan3A_58 = arith.constant 1 : i32
      %scan3A_59 = scf.for %scan3A_68 = %scan3A_55 to %scan3A_57 step %scan3A_58 iter_args(%scan3A_69 = %broadcast_in_dim3A_7) -> (vector<16xf32>)  : i32 {
        %mul3A_70 = arith.constant 129 : i32
        %mul3A_71 = arith.muli %scan3A_68, %mul3A_70 : i32
        %mul3A_72 = arith.constant 16 : i32
        %mul3A_73 = arith.muli %scan3A_30, %mul3A_72 : i32
        %add3A_74 = arith.addi %mul3A_71, %mul3A_73 : i32
        %add3A_75 = vector.broadcast %add3A_74 : i32 to vector<16xi32>
        %add3A_76 = arith.addi %iota3A, %add3A_75 : vector<16xi32>
        %gather3A = tpu.vector_load_idx %arg11[%add3A_76] : memref<2064xf32, #tpu.memory_space<vmem>>[vector<16xi32>], vector<16xf32>,
        %add3A_77 = arith.addf %scan3A_69, %gather3A : vector<16xf32>
        scf.yield %add3A_77 : vector<16xf32>
      }
      %scan3A_60 = arith.constant 16 : i32
      %mul3A_61 = arith.constant 16 : i32
      %mul3A_62 = arith.muli %scan3A_30, %mul3A_61 : i32
      %add3A_63 = arith.constant 256 : i32
      %add3A_64 = arith.addi %add3A_63, %mul3A_62 : i32
      %swap3A_65 = arith.index_cast %add3A_64 : i32 to index
      %swap3A_66 = tpu.vector_load %arg12[%swap3A_65] {strides = array<i32>} : memref<384xf32, #tpu.memory_space<vmem>>, vector<16xf32>,
      tpu.vector_store %arg12[%swap3A_65], %scan3A_59 {strides = array<i32>} : memref<384xf32, #tpu.memory_space<vmem>>, vector<16xf32>,
      %scan3A_67 = arith.constant 0 : i32
      scf.yield %scan3A_67 : i32
    }
    %scan3A_27 = arith.constant 8 : i32
    %mul3A_28 = arith.constant 384 : i32
    %mul3A_29 = arith.muli %add3A, %mul3A_28 : i32
    "tpu.region"() ({
      %run_scoped3A = tpu.sem_alloc : memref<!tpu.dma_semaphore, #tpu.memory_space<semaphore_mem>>
      %dma_start3A = tpu.memref_slice %arg5[%mul3A_29] : memref<12288xf32, #tpu.memory_space<hbm>> -> memref<384xf32, #tpu.memory_space<hbm>>
      %dma_start3A_30 = tpu.memref_slice %arg5[%mul3A_29] : memref<12288xf32, #tpu.memory_space<hbm>> -> memref<384xf32, #tpu.memory_space<hbm>>
      tpu.enqueue_dma source(%arg12 : memref<384xf32, #tpu.memory_space<vmem>>) target(%dma_start3A_30 : memref<384xf32, #tpu.memory_space<hbm>>) target_semaphore(%run_scoped3A : memref<!tpu.dma_semaphore, #tpu.memory_space<semaphore_mem>>)
      %dma_wait3A = tpu.memref_slice %arg5[%mul3A_29] : memref<12288xf32, #tpu.memory_space<hbm>> -> memref<384xf32, #tpu.memory_space<hbm>>
      %dma_wait3A_31 = tpu.memref_slice %arg5[%mul3A_29] : memref<12288xf32, #tpu.memory_space<hbm>> -> memref<384xf32, #tpu.memory_space<hbm>>
      tpu.wait_dma2 semaphore(%run_scoped3A : memref<!tpu.dma_semaphore, #tpu.memory_space<semaphore_mem>>) src(%arg12 : memref<384xf32, #tpu.memory_space<vmem>>) dst(%dma_wait3A_31 : memref<384xf32, #tpu.memory_space<hbm>>)
      tpu.yield
    }) : () -> ()
    return
  }
}

module attributes {stable_mosaic.version = 14 : i64} {
  func.func @_mv_body(%arg0: i32, %arg1: memref<1x512xf32, #tpu.memory_space<vmem>>, %arg2: memref<10240x256xf32, #tpu.memory_space<vmem>>, %arg3: memref<10240xf32, #tpu.memory_space<vmem>>, %arg4: memref<10240xf32, #tpu.memory_space<vmem>>) attributes {dimension_semantics = [#tpu.dimension_semantics<arbitrary>], iteration_bounds = array<i64: 5>, scalar_prefetch = 0 : i64, scratch_operands = 0 : i64, tpu.core_type = #tpu.core_type<tc>, window_params = [{pipeline_mode = #tpu.pipeline_mode<synchronous>, transform_indices = @transform_0, window_bounds = array<i64: 1, 512>}, {transform_indices = @transform_1, window_bounds = array<i64: 10240, 256>}, {transform_indices = @transform_2, window_bounds = array<i64: 10240>}, {transform_indices = @transform_3, window_bounds = array<i64: 10240>}]} {
    %get3A = arith.constant 0 : index
    %get3A_0 = arith.constant 0 : index
    %get3A_1 = vector.load %arg2[%get3A, %get3A_0] : memref<10240x256xf32, #tpu.memory_space<vmem>>, vector<10240x256xf32>
    %get3A_2 = arith.constant 0 : index
    %get3A_3 = arith.constant 0 : index
    %get3A_4 = vector.load %arg1[%get3A_2, %get3A_3] : memref<1x512xf32, #tpu.memory_space<vmem>>, vector<1x512xf32>
    %reshape3A = vector.shape_cast %get3A_4 : vector<1x512xf32> to vector<2x256xf32>
    %dot_general3A = arith.constant dense<0.000000e+00> : vector<2x10240xf32>
    %dot_general3A_5 = tpu.matmul %reshape3A, %get3A_1, %dot_general3A {dimension_numbers = #tpu.dot_dimension_numbers<[1], [1], [0], [0], [0, 0, 1, 0], [], []>, transpose_lhs_hint = false} : vector<2x256xf32>, vector<10240x256xf32>, vector<2x10240xf32> -> vector<2x10240xf32>
    %slice3A = vector.extract_strided_slice %dot_general3A_5 {offsets = [0, 0], sizes = [1, 10240], strides = [1, 1]} : vector<2x10240xf32> to vector<1x10240xf32>
    %squeeze3A = vector.shape_cast %slice3A : vector<1x10240xf32> to vector<10240xf32>
    %swap3A = arith.constant 0 : index
    %swap3A_6 = vector.load %arg3[%swap3A] : memref<10240xf32, #tpu.memory_space<vmem>>, vector<10240xf32>
    tpu.vector_store %arg3[%swap3A], %squeeze3A {strides = array<i32>} : memref<10240xf32, #tpu.memory_space<vmem>>, vector<10240xf32>,
    %slice3A_7 = vector.extract_strided_slice %dot_general3A_5 {offsets = [1, 0], sizes = [1, 10240], strides = [1, 1]} : vector<2x10240xf32> to vector<1x10240xf32>
    %squeeze3A_8 = vector.shape_cast %slice3A_7 : vector<1x10240xf32> to vector<10240xf32>
    %swap3A_9 = arith.constant 0 : index
    %swap3A_10 = vector.load %arg4[%swap3A_9] : memref<10240xf32, #tpu.memory_space<vmem>>, vector<10240xf32>
    tpu.vector_store %arg4[%swap3A_9], %squeeze3A_8 {strides = array<i32>} : memref<10240xf32, #tpu.memory_space<vmem>>, vector<10240xf32>,
    return
  }
  func.func @transform_0(%arg0: i32) -> (i32, i32) {
    %c0_i32 = arith.constant 0 : i32
    %c0_i32_0 = arith.constant 0 : i32
    %c0_i32_1 = arith.constant 0 : i32
    return %c0_i32, %c0_i32_0 : i32, i32
  }
  func.func @transform_1(%arg0: i32) -> (i32, i32) {
    %c0_i32 = arith.constant 0 : i32
    %c0_i32_0 = arith.constant 0 : i32
    return %arg0, %c0_i32 : i32, i32
  }
  func.func @transform_2(%arg0: i32) -> i32 {
    %c0_i32 = arith.constant 0 : i32
    return %arg0 : i32
  }
  func.func @transform_3(%arg0: i32) -> i32 {
    %c0_i32 = arith.constant 0 : i32
    return %arg0 : i32
  }
}

module attributes {stable_mosaic.version = 14 : i64} {
  func.func @_fin_body(%arg0: memref<1xf32, #tpu.memory_space<smem>>, %arg1: memref<12288xf32, #tpu.memory_space<vmem>>, %arg2: memref<128xf32, #tpu.memory_space<vmem>>) attributes {dimension_semantics = [], scalar_prefetch = 0 : i64, scratch_operands = 0 : i64, tpu.core_type = #tpu.core_type<tc>} {
    %get3A = arith.constant 0 : index
    %get3A_0 = vector.load %arg1[%get3A] : memref<12288xf32, #tpu.memory_space<vmem>>, vector<384xf32>
    %get3A_1 = arith.constant 384 : index
    %get3A_2 = vector.load %arg1[%get3A_1] : memref<12288xf32, #tpu.memory_space<vmem>>, vector<384xf32>
    %add3A = arith.addf %get3A_0, %get3A_2 : vector<384xf32>
    %get3A_3 = arith.constant 768 : index
    %get3A_4 = vector.load %arg1[%get3A_3] : memref<12288xf32, #tpu.memory_space<vmem>>, vector<384xf32>
    %add3A_5 = arith.addf %add3A, %get3A_4 : vector<384xf32>
    %get3A_6 = arith.constant 1152 : index
    %get3A_7 = vector.load %arg1[%get3A_6] : memref<12288xf32, #tpu.memory_space<vmem>>, vector<384xf32>
    %add3A_8 = arith.addf %add3A_5, %get3A_7 : vector<384xf32>
    %get3A_9 = arith.constant 1536 : index
    %get3A_10 = vector.load %arg1[%get3A_9] : memref<12288xf32, #tpu.memory_space<vmem>>, vector<384xf32>
    %add3A_11 = arith.addf %add3A_8, %get3A_10 : vector<384xf32>
    %get3A_12 = arith.constant 1920 : index
    %get3A_13 = vector.load %arg1[%get3A_12] : memref<12288xf32, #tpu.memory_space<vmem>>, vector<384xf32>
    %add3A_14 = arith.addf %add3A_11, %get3A_13 : vector<384xf32>
    %get3A_15 = arith.constant 2304 : index
    %get3A_16 = vector.load %arg1[%get3A_15] : memref<12288xf32, #tpu.memory_space<vmem>>, vector<384xf32>
    %add3A_17 = arith.addf %add3A_14, %get3A_16 : vector<384xf32>
    %get3A_18 = arith.constant 2688 : index
    %get3A_19 = vector.load %arg1[%get3A_18] : memref<12288xf32, #tpu.memory_space<vmem>>, vector<384xf32>
    %add3A_20 = arith.addf %add3A_17, %get3A_19 : vector<384xf32>
    %get3A_21 = arith.constant 3072 : index
    %get3A_22 = vector.load %arg1[%get3A_21] : memref<12288xf32, #tpu.memory_space<vmem>>, vector<384xf32>
    %add3A_23 = arith.addf %add3A_20, %get3A_22 : vector<384xf32>
    %get3A_24 = arith.constant 3456 : index
    %get3A_25 = vector.load %arg1[%get3A_24] : memref<12288xf32, #tpu.memory_space<vmem>>, vector<384xf32>
    %add3A_26 = arith.addf %add3A_23, %get3A_25 : vector<384xf32>
    %get3A_27 = arith.constant 3840 : index
    %get3A_28 = vector.load %arg1[%get3A_27] : memref<12288xf32, #tpu.memory_space<vmem>>, vector<384xf32>
    %add3A_29 = arith.addf %add3A_26, %get3A_28 : vector<384xf32>
    %get3A_30 = arith.constant 4224 : index
    %get3A_31 = vector.load %arg1[%get3A_30] : memref<12288xf32, #tpu.memory_space<vmem>>, vector<384xf32>
    %add3A_32 = arith.addf %add3A_29, %get3A_31 : vector<384xf32>
    %get3A_33 = arith.constant 4608 : index
    %get3A_34 = vector.load %arg1[%get3A_33] : memref<12288xf32, #tpu.memory_space<vmem>>, vector<384xf32>
    %add3A_35 = arith.addf %add3A_32, %get3A_34 : vector<384xf32>
    %get3A_36 = arith.constant 4992 : index
    %get3A_37 = vector.load %arg1[%get3A_36] : memref<12288xf32, #tpu.memory_space<vmem>>, vector<384xf32>
    %add3A_38 = arith.addf %add3A_35, %get3A_37 : vector<384xf32>
    %get3A_39 = arith.constant 5376 : index
    %get3A_40 = vector.load %arg1[%get3A_39] : memref<12288xf32, #tpu.memory_space<vmem>>, vector<384xf32>
    %add3A_41 = arith.addf %add3A_38, %get3A_40 : vector<384xf32>
    %get3A_42 = arith.constant 5760 : index
    %get3A_43 = vector.load %arg1[%get3A_42] : memref<12288xf32, #tpu.memory_space<vmem>>, vector<384xf32>
    %add3A_44 = arith.addf %add3A_41, %get3A_43 : vector<384xf32>
    %get3A_45 = arith.constant 6144 : index
    %get3A_46 = vector.load %arg1[%get3A_45] : memref<12288xf32, #tpu.memory_space<vmem>>, vector<384xf32>
    %add3A_47 = arith.addf %add3A_44, %get3A_46 : vector<384xf32>
    %get3A_48 = arith.constant 6528 : index
    %get3A_49 = vector.load %arg1[%get3A_48] : memref<12288xf32, #tpu.memory_space<vmem>>, vector<384xf32>
    %add3A_50 = arith.addf %add3A_47, %get3A_49 : vector<384xf32>
    %get3A_51 = arith.constant 6912 : index
    %get3A_52 = vector.load %arg1[%get3A_51] : memref<12288xf32, #tpu.memory_space<vmem>>, vector<384xf32>
    %add3A_53 = arith.addf %add3A_50, %get3A_52 : vector<384xf32>
    %get3A_54 = arith.constant 7296 : index
    %get3A_55 = vector.load %arg1[%get3A_54] : memref<12288xf32, #tpu.memory_space<vmem>>, vector<384xf32>
    %add3A_56 = arith.addf %add3A_53, %get3A_55 : vector<384xf32>
    %get3A_57 = arith.constant 7680 : index
    %get3A_58 = vector.load %arg1[%get3A_57] : memref<12288xf32, #tpu.memory_space<vmem>>, vector<384xf32>
    %add3A_59 = arith.addf %add3A_56, %get3A_58 : vector<384xf32>
    %get3A_60 = arith.constant 8064 : index
    %get3A_61 = vector.load %arg1[%get3A_60] : memref<12288xf32, #tpu.memory_space<vmem>>, vector<384xf32>
    %add3A_62 = arith.addf %add3A_59, %get3A_61 : vector<384xf32>
    %get3A_63 = arith.constant 8448 : index
    %get3A_64 = vector.load %arg1[%get3A_63] : memref<12288xf32, #tpu.memory_space<vmem>>, vector<384xf32>
    %add3A_65 = arith.addf %add3A_62, %get3A_64 : vector<384xf32>
    %get3A_66 = arith.constant 8832 : index
    %get3A_67 = vector.load %arg1[%get3A_66] : memref<12288xf32, #tpu.memory_space<vmem>>, vector<384xf32>
    %add3A_68 = arith.addf %add3A_65, %get3A_67 : vector<384xf32>
    %get3A_69 = arith.constant 9216 : index
    %get3A_70 = vector.load %arg1[%get3A_69] : memref<12288xf32, #tpu.memory_space<vmem>>, vector<384xf32>
    %add3A_71 = arith.addf %add3A_68, %get3A_70 : vector<384xf32>
    %get3A_72 = arith.constant 9600 : index
    %get3A_73 = vector.load %arg1[%get3A_72] : memref<12288xf32, #tpu.memory_space<vmem>>, vector<384xf32>
    %add3A_74 = arith.addf %add3A_71, %get3A_73 : vector<384xf32>
    %get3A_75 = arith.constant 9984 : index
    %get3A_76 = vector.load %arg1[%get3A_75] : memref<12288xf32, #tpu.memory_space<vmem>>, vector<384xf32>
    %add3A_77 = arith.addf %add3A_74, %get3A_76 : vector<384xf32>
    %get3A_78 = arith.constant 10368 : index
    %get3A_79 = vector.load %arg1[%get3A_78] : memref<12288xf32, #tpu.memory_space<vmem>>, vector<384xf32>
    %add3A_80 = arith.addf %add3A_77, %get3A_79 : vector<384xf32>
    %get3A_81 = arith.constant 10752 : index
    %get3A_82 = vector.load %arg1[%get3A_81] : memref<12288xf32, #tpu.memory_space<vmem>>, vector<384xf32>
    %add3A_83 = arith.addf %add3A_80, %get3A_82 : vector<384xf32>
    %get3A_84 = arith.constant 11136 : index
    %get3A_85 = vector.load %arg1[%get3A_84] : memref<12288xf32, #tpu.memory_space<vmem>>, vector<384xf32>
    %add3A_86 = arith.addf %add3A_83, %get3A_85 : vector<384xf32>
    %get3A_87 = arith.constant 11520 : index
    %get3A_88 = vector.load %arg1[%get3A_87] : memref<12288xf32, #tpu.memory_space<vmem>>, vector<384xf32>
    %add3A_89 = arith.addf %add3A_86, %get3A_88 : vector<384xf32>
    %get3A_90 = arith.constant 11904 : index
    %get3A_91 = vector.load %arg1[%get3A_90] : memref<12288xf32, #tpu.memory_space<vmem>>, vector<384xf32>
    %add3A_92 = arith.addf %add3A_89, %get3A_91 : vector<384xf32>
    %slice3A = vector.extract_strided_slice %add3A_92 {offsets = [0], sizes = [128], strides = [1]} : vector<384xf32> to vector<128xf32>
    %slice3A_93 = vector.extract_strided_slice %add3A_92 {offsets = [128], sizes = [128], strides = [1]} : vector<384xf32> to vector<128xf32>
    %slice3A_94 = vector.extract_strided_slice %add3A_92 {offsets = [256], sizes = [128], strides = [1]} : vector<384xf32> to vector<128xf32>
    %max3A = arith.constant 1.000000e+00 : f32
    %max3A_95 = vector.broadcast %max3A : f32 to vector<128xf32>
    %max3A_96 = arith.maximumf %slice3A_94, %max3A_95 : vector<128xf32>
    %div3A = arith.divf %slice3A_93, %max3A_96 : vector<128xf32>
    %add3A_97 = arith.addf %slice3A, %div3A : vector<128xf32>
    %get3A_98 = arith.constant 0 : index
    %get3A_99 = memref.load %arg0[%get3A_98] : memref<1xf32, #tpu.memory_space<smem>>
    %add3A_100 = vector.broadcast %get3A_99 : f32 to vector<128xf32>
    %add3A_101 = arith.addf %add3A_97, %add3A_100 : vector<128xf32>
    %swap3A = arith.constant 0 : index
    %swap3A_102 = vector.load %arg2[%swap3A] : memref<128xf32, #tpu.memory_space<vmem>>, vector<128xf32>
    tpu.vector_store %arg2[%swap3A], %add3A_101 {strides = array<i32>} : memref<128xf32, #tpu.memory_space<vmem>>, vector<128xf32>,
    return
  }
}

</mosaic_0001>

<sc_bundles>
// kernel: kernel.5.cloned.1.call-start
scs
__scs_entry_jumppad:
0x0: {  	(pc) =	sbr.rel $0x88, $3  }
0x1: {  	(tag) =	ssettag $0x0;
	lr =	simm.s32 $0x1  }
0x2: {  	[smem:$0x3F9D] =	sst lr;
	_ =	strace $0xD0000000  }
0x3: {  	_ = 	snop  }
0x4: {  	_ = 	snop  }
0x5: {  	_ = 	snop  }
0x6: {  	_ = 	snop  }
0x7: {  	_ = 	snop  }
__scs_overlays_trampoline_lowered:
0x8: {  	[smem:$0x3FAC] =	sst s0  }
0x9: {  	[smem:$0x3FAD] =	sst s1  }
0xa: {  	[smem:$0x3FAE] =	sst s2  }
0xb: {  	[smem:$0x3FAF] =	sst s3  }
0xc: {  	[smem:$0x3FB0] =	sst s4  }
0xd: {  	[smem:$0x3FB1] =	sst s5  }
0xe: {  	[smem:$0x3FB2] =	sst s6  }
0xf: {  	[smem:$0x3FB3] =	sst s7  }
0x10: {  	[smem:$0x3FB4] =	sst s8  }
0x11: {  	[smem:$0x3FB5] =	sst s9;
	s0 =	simm.s32 @!p0 $0x0  }
0x12: {  	s1 =	sld [smem:$0x3F9B];
	s0 =	simm.s32 @p0 $0x1  }
0x13: {  	[smem:$0x3FB6] =	sst s0;
	s0 =	simm.s32 @!p1 $0x0  }
0x14: {  	s2 =	sld [smem:$0x3F9A];
	s0 =	simm.s32 @p1 $0x1  }
0x15: {  	[smem:$0x3FB7] =	sst s0;
	s0 =	simm.s32 @!p2 $0x0  }
0x16: {  	s3 =	sld [smem:$0x3FDB];
	s0 =	simm.s32 @p2 $0x1  }
0x17: {  	s4 =	simm.s32 $0x1BF5;
	[smem:$0x3FB9] =	sst s0  }
0x18: {  	s0 =	sld [smem:$0x3F9C];
	_ =	swait.ge [sflag:s4], $0x0  }
0x19: {  	s7 =	sld [smem:$0x3F9D]  }
0x1a: {  	s8 =	sadd.s32 $0xFFFFE003, lr  }
0x1b: {  	s9 =	sadd.s32 $0xFFFFFEF7, lr;
	s5 =	simm.s32 $0xFFFFFFFF;
	p2 =	slt.u32 s8, $0xFFFFF086  }
0x1c: {  	p1 =	slt.u32 s9, $0xF7A;
	s5 =	simm.s32 @!p2 $0x0  }
0x1d: {  	s5 =	simm.s32 @p1 $0x1;
	p0 =	seq.s32 s7, s2  }
0x1e: {  	s7 =	smul.u32 @!p0 $0xF7A, s2;
	p2 =	seq.s32 @!p0 s5, $0x0  }
0x1f: {  	s9 =	smul.u32 $0xF7A, s1;
	s8 =	simm.s32 @!p0 $0x1BF5;
	p2 =	por !p2, p0  }
0x20: {  	[sflag:s8] =	ssyncset.s32 @!p0 $0xFFFFF086;
	s6 =	sadd.s32 @!p0 s3, s7;
	s7 =	simm.s32 @!p0 $0x108  }
0x21: {  	s3 =	sadd.s32 s3, s9;
	s6 =	sadd.s32 @!p0 $0x88, s6;
	s7 =	simm.s32 @p2 $0x1082  }
0x22: {  	[simem:s7], [sflag:s8] =	dma.local @!p0 [hbm:s6], $0xF7A  }
0x23: {  	s9 =	sor.u32 $0xD0000000, s2;
	s6 =	simm.s32 $0x108;
	_ =	swait.ge @!p0 [sflag:s8], $0x0  }
0x24: {  	s3 =	sadd.s32 $0x88, s3;
	s6 =	simm.s32 @!p1 $0x1082;
	[sflag:s4] =	ssyncset.s32 $0xFFFFF086  }
0x25: {  	[simem:s6], [sflag:s4] =	dma.local [hbm:s3], $0xF7A  }
0x26: {  	[smem:$0x3F9D] =	sst s1;
	(tag) =	ssettag s2;
	_ =	strace s9  }
0x27: {  	s1 =	sld [smem:$0x3FAD]  }
0x28: {  	s2 =	sld [smem:$0x3FAE]  }
0x29: {  	s4 =	sld [smem:$0x3FB0]  }
0x2a: {  	p0 =	seq.s32 s5, $0x0;
	s5 =	sld [smem:$0x3FB1]  }
0x2b: {  	s6 =	sld [smem:$0x3FB2]  }
0x2c: {  	s7 =	sld [smem:$0x3FB3]  }
0x2d: {  	s3 =	simm.s32 $0x108;
	s8 =	sld [smem:$0x3FB4]  }
0x2e: {  	s3 =	simm.s32 @!p0 $0x1082;
	s9 =	sld [smem:$0x3FB5]  }
0x2f: {  	lr =	sadd.s32 s0, s3;
	s0 =	sld [smem:$0x3FAC]  }
0x30: {  	s3 =	sld [smem:$0x3FAF]  }
0x31: {  	[smem:$0x3FB8] =	sst s10  }
0x32: {  	s10 =	sld [smem:$0x3FB6];
	_ =	sdelay $0x3  }
0x33: {  	p0 =	seq.s32 s10, $0x1;
	s10 =	sld [smem:$0x3FB8];
	_ =	sdelay $0x3  }
0x34: {  	[smem:$0x3FB8] =	sst s10  }
0x35: {  	s10 =	sld [smem:$0x3FB7];
	_ =	sdelay $0x3  }
0x36: {  	p1 =	seq.s32 s10, $0x1;
	s10 =	sld [smem:$0x3FB8];
	_ =	sdelay $0x3  }
0x37: {  	[smem:$0x3FB8] =	sst s10  }
0x38: {  	s10 =	sld [smem:$0x3FB9]  }
0x39: {  	_ = 	snop;
	(pc) =	sbr.ind lr, $3  }
0x3a: {  	_ = 	snop  }
0x3b: {  	_ = 	snop  }
0x3c: {  	p2 =	seq.s32 s10, $0x1;
	s10 =	sld [smem:$0x3FB8]  }
0x3d: {  	_ =	shalt  }
0x3e: {  	_ =	shalt  }
0x3f: {  	_ =	shalt  }
0x40: {  	_ =	shalt  }
0x41: {  	_ =	shalt  }
0x42: {  	_ =	shalt  }
0x43: {  	_ =	shalt  }
0x44: {  	_ =	shalt  }
0x45: {  	_ =	shalt  }
0x46: {  	_ =	shalt  }
0x47: {  	_ =	shalt  }
0x48: {  	_ =	shalt  }
0x49: {  	_ =	shalt  }
0x4a: {  	_ =	shalt  }
0x4b: {  	_ =	shalt  }
0x4c: {  	_ =	shalt  }
0x4d: {  	_ =	shalt  }
0x4e: {  	_ =	shalt  }
0x4f: {  	_ =	shalt  }
0x50: {  	_ =	shalt  }
0x51: {  	_ =	shalt  }
0x52: {  	_ =	shalt  }
0x53: {  	_ =	shalt  }
0x54: {  	_ =	shalt  }
0x55: {  	_ =	shalt  }
0x56: {  	_ =	shalt  }
0x57: {  	_ =	shalt  }
0x58: {  	_ =	shalt  }
0x59: {  	_ =	shalt  }
0x5a: {  	_ =	shalt  }
0x5b: {  	_ =	shalt  }
0x5c: {  	_ =	shalt  }
0x5d: {  	_ =	shalt  }
0x5e: {  	_ =	shalt  }
0x5f: {  	_ =	shalt  }
0x60: {  	_ =	shalt  }
0x61: {  	_ =	shalt  }
0x62: {  	_ =	shalt  }
0x63: {  	_ =	shalt  }
0x64: {  	_ =	shalt  }
0x65: {  	_ =	shalt  }
0x66: {  	_ =	shalt  }
0x67: {  	_ =	shalt  }
0x68: {  	_ =	shalt  }
0x69: {  	_ =	shalt  }
0x6a: {  	_ =	shalt  }
0x6b: {  	_ =	shalt  }
0x6c: {  	_ =	shalt  }
0x6d: {  	_ =	shalt  }
0x6e: {  	_ =	shalt  }
0x6f: {  	_ =	shalt  }
0x70: {  	_ =	shalt  }
0x71: {  	_ =	shalt  }
0x72: {  	_ =	shalt  }
0x73: {  	_ =	shalt  }
0x74: {  	_ =	shalt  }
0x75: {  	_ =	shalt  }
0x76: {  	_ =	shalt  }
0x77: {  	_ =	shalt  }
0x78: {  	_ =	shalt  }
0x79: {  	_ =	shalt  }
0x7a: {  	_ =	shalt  }
0x7b: {  	_ =	shalt  }
0x7c: {  	_ =	shalt  }
0x7d: {  	_ =	shalt  }
0x7e: {  	_ =	shalt  }
0x7f: {  	_ =	shalt  }
0x80: {  	_ =	shalt  }
0x81: {  	_ =	shalt  }
0x82: {  	_ =	shalt  }
0x83: {  	_ =	shalt  }
0x84: {  	_ =	shalt  }
0x85: {  	_ =	shalt  }
0x86: {  	_ =	shalt  }
0x87: {  	_ =	shalt  }
.Lfunc_end0:
.L_simem_size_0:
called_computation_lowered:
.L_overlay_start_0:
0x88: {  	s2 =	sld [smem:$0x3FD9]  }
0x89: {  	s3 =	sld [smem:$0x3FFE];
	_ =	sdelay $0x1  }
0x8a: {  	s1 =	srdreg.scid  }
0x8b: {  	s0 =	sand.u32 $0x1, s1  }
0x8c: {  	s17 =	sshll.u32 s0, $0xA;
	s2 =	sadd.s32 s3, s2  }
0x8d: {  	s2 =	sadd.s32 s2, s17  }
0x8e: {  	[smem:$0x3FC4] =	sst s2  }
0x8f: {  	_ = 	snop  }
0x90: {  	s2 =	sld [smem:$0x3FC8];
	(tm) =	ssettm $0x1  }
0x91: {  	s18 =	sld [smem:$0x3FFB];
	_ =	sdelay $0x3  }
0x92: {  	_ =	strace s18  }
0x93: {  	s3 =	sld [smem:$0x3FFC];
	_ =	sdelay $0x3  }
0x94: {  	_ =	strace s3  }
0x95: {  	s3 =	sld [smem:$0x3FFD];
	_ =	sdelay $0x3  }
0x96: {  	_ =	strace s3  }
0x97: {  	_ =	strace $0x8FFFFFFF  }
0x98: {  	s19 =	sld [smem:$0x3FDB];
	_ =	sdelay $0x1  }
0x99: {  	s4 =	simm.s32 $_scs_section_size  }
0x9a: {  	s5 =	simm.s32 $_size__tile_overlayer_lowered;
	s6 =	simm.s32 $_tile_overlayer_lowered  }
0x9b: {  	s22 =	simm.s32 $0x1BFF;
	s21 =	sshll.u32 s6, $0x1;
	s3 =	sadd.s32 s4, s19  }
0x9c: {  	s7 =	simm.s32 $0x0;
	s20 =	sshll.u32 s5, $0x1;
	s5 =	sadd.s32 s21, s3  }
0x9d: {  	[timem:s7], [sflag:s22] =	dma.local [hbm:s5], s20  }
0x9e: {  	_ =	swait.ge [sflag:s22], s20  }
0x9f: {  	s4 =	ssub.s32 $0x0, s20;
	[sflag:s22] =	ssyncset.done $0x0  }
0xa0: {  	[sflag:s22] =	ssyncadd.s32 s4;
	_ =	sdelay $0x1  }
0xa1: {  	s23 =	simm.s32 $0x1B8B  }
0xa2: {  	_ =	swait.ge [sflag:s23], $0x1  }
0xa3: {  	[sflag:s23] =	ssyncset.done $0x0  }
0xa4: {  	s25 =	simm.s32 $0x1B8E;
	s24 =	sld [smem:$0x3FFE];
	[sflag:s23] =	ssyncadd.s32 $0xFFFFFFFF  }
0xa5: {  	s26 =	simm.s32 $execute0_lowered;
	[smem:$0x3FD2] =	sst s25  }
0xa6: {  	s5 =	sshll.u32 s26, $0x1;
	_ =	strace $0x80000046;
	[dreg:$0x1] =	wrdreg $0xFFFFFFFF  }
0xa7: {  	s28 =	simm.s32 $_size_execute0_lowered;
	s3 =	sadd.s32 s3, s5;
	[dreg:$0x0] =	wrdreg $0x0  }
0xa8: {  	s5 =	sshll.u32 s28, $0x1;
	[dreg:$0x2] =	wrdreg s3  }
0xa9: {  	[dreg:$0x3] =	wrdreg s5  }
0xaa: {  	[dreg:$0x4] =	wrdreg $0xC0  }
0xab: {  	_ =	task [dreg:s7], $0x5FFFF  }
0xac: {  	[dreg:$0x1] =	wrdreg $0xFFFFFFFF  }
0xad: {  	[dreg:$0x0] =	wrdreg $0x60  }
0xae: {  	[dreg:$0x2] =	wrdreg s24  }
0xaf: {  	[dreg:$0x3] =	wrdreg s2  }
0xb0: {  	[dreg:$0x4] =	wrdreg $0x9  }
0xb1: {  	_ =	task.clear_ibuf [dreg:s7], $0x5FFFF;
	_ =	strace $0x90000046  }
0xb2: {  	s29 =	simm.s32 $0x9;
	_ =	strace $0x80000048  }
0xb3: {  	_ =	swait.ge [sflag:s29], $0x1  }
0xb4: {  	[sflag:s29] =	ssyncadd.s32 $0xFFFFFFFF  }
0xb5: {  	_ =	strace $0x90000048  }
0xb6: {  	_ =	sfence  }
0xb7: {  	s30 =	sld [smem:$0x0];
	_ =	sdelay $0x2  }
0xb8: {  	s31 =	sshll.u32 s1, $0xD;
	s1 =	sshrl.u32 s1, $0x2  }
0xb9: {  	s3 =	sand.u32 $0x4000, s31;
	s1 =	sadd.s32 s1, s30  }
0xba: {  	s0 =	sor.u32 s3, s0;
	s1 =	sshll.u32 s1, $0x11  }
0xbb: {  	s0 =	sor.u32 s1, s0  }
0xbc: {  	s0 =	sadd.s32 $0x8F2B, s0  }
0xbd: {  	[sflag:s0] =	ssyncadd.remote.s32 $0x1  }
0xbe: {  	_ =	sfence.sel $0xFFFF  }
0xbf: {  	[dreg:$0x0] =	wrdreg $0xFFFFFFFF;
	(pc) =	sbr.abs _section_cstart, $3  }
0xc0: {  	[dreg:$0x1] =	wrdreg $0xFFFFFFFF  }
0xc1: {  	_ =	task.clear_ibuf [dreg:s7], $0x2FFFF;
	_ =	strace $0x9FFFFFFF  }
0xc2: {  	(tm) =	ssettm $0x7FFFFFFF  }
0xc3: {  	_ =	shalt  }
tec
execute0_lowered:
.L_overlay_start_1:
0x0: {  	(tag) =	ssettag $0x1  }
0x1: {  	s1 =	srdreg.scid  }
0x2: {  	s0 =	stileid.u32;
	s6 =	rddreg [dreg:$0x0]  }
0x3: {  	s7 =	rddreg [dreg:$0x1];
	s3 =	simm.s32 $0x0;
	s11 =	simm.s32 $0xC1C0  }
0x4: {  	s13 =	simm.s32 $0x1C00;
	s14 =	simm.s32 $0x2480;
	s15 =	simm.s32 $0x2D00  }
0x5: {  	s4 =	sand.u32 $0x1, s1;
	s30 =	sshll.u32 s0, $0x1;
	s1 =	rddreg [dreg:$0x2]  }
0x6: {  	s16 =	simm.s32 $0x0;
	[smem:$0x7FF] =	sst s3;
	s5 =	sor.u32 s4, s30  }
0x7: {  	_ =	strace $0x80000047;
	s4 =	ssub.s32 $0x2, s4;
	s2 =	smul.u32 $0x640, s5  }
0x8: {  	p0 =	seq.s32 s5, $0x1F;
	s5 =	smul.u32 $0x30, s5;
	s31 =	sshrl.u32 s4, $0x1  }
0x9: {  	s12 =	ssub.s32 s4, s31;
	s11 =	simm.s32 @!p0 $0x0;
	s2 =	simm.s32 @p0 $0xBD10  }
0xa: {  	s10 =	sadd.s32 s5, s6;
	v0 =	vmov s11;
	s11 =	simm.s32 $0xD00;
	s8 =	sshrl.u32 s2, $0x3  }
0xb: {  	s9 =	sadd.s32 s8, s6;
	s6 =	sadd.s32 s7, s8;
	s7 =	sadd.s32 $0x4200, s10  }
0xc: {  	v1 =	vlaneseq.u32;
	s8 =	smax.u32 s12, $0x1;
	s10 =	simm.s32 $0x680;
	s12 =	simm.s32 $0x1380  }
0xd: {  	v2 =	vimm.f32 $0.0e+00;
	v3 =	vimm.f32 $1.000000000e+00;
	v4 =	vmul.u32 $0x81, v1;
	s4 =	sadd.s32 $0xE00, s9;
	s5 =	sadd.s32 $0x2800, s9;
	s9 =	simm.s32 $0x1  }
.LBB2_1:
0xe: {  	[tilespmem:s3], [sflag:$0x1] =	stream.linear.gather [hbm4b:s4+s3], $0x640, $0x38;
	[tilespmem:$0x2E80] =	vst v63  }
0xf: {  	_ =	swait.ge [sflag:s9], $0x640  }
0x10: {  	[sflag:s9] =	ssyncset.done $0x0  }
0x11: {  	[sflag:s9] =	ssyncadd.s32 $0xFFFFF9C0  }
0x12: {  	[tilespmem:s10], [sflag:$0x1] =	stream.linear.gather [hbm4b:s5+s3], $0x640, $0x38;
	[tilespmem:$0x2E80] =	vst v63  }
0x13: {  	_ =	swait.ge [sflag:s9], $0x640  }
0x14: {  	[sflag:s9] =	ssyncset.done $0x0  }
0x15: {  	[sflag:s9] =	ssyncadd.s32 $0xFFFFF9C0  }
0x16: {  	[tilespmem:s11], [sflag:$0x1] =	stream.linear.gather [hbm4b:s6+s3], $0x640, $0x38;
	[tilespmem:$0x2E80] =	vst v63  }
0x17: {  	_ =	swait.ge [sflag:s9], $0x640  }
0x18: {  	[sflag:s9] =	ssyncset.done $0x0  }
0x19: {  	s17 =	simm.s32 $0x40;
	s18 =	simm.s32 $0x0;
	[sflag:s9] =	ssyncadd.s32 $0xFFFFF9C0  }
.LBB2_2:
0x1a: {  	p0 =	sne.s32 s17, $0x2000;
	[tilespmem:s18+$0x2480] =	vst v2;
	s19 =	smov.u32 s17;
	s17 =	sadd.s32 $0x40, s17  }
.Ltmp0:
0x1b: {  	[tilespmem:s18+$0x1380] =	vst v2;
	(pc) =	sbr.rel @p0 .LBB2_2-.Ltmp0, $2  }
0x1c: {  	[tilespmem:s18+$0x1C00] =	vst v2;
	_ =	sdelay $0x2  }
0x1d: {  	s18 =	sshra.s32 s19, $0x2  }
0x1e: {  	[tilespmem:s18+$0x2480] =	vst v2  }
0x1f: {  	[tilespmem:s18+$0x1380] =	vst v2  }
0x20: {  	[tilespmem:s18+$0x1C00] =	vst v2;
	s17 =	simm.s32 $0x0  }
0x21: {  	v5 =	vld [tilespmem:s17+$0xD00];
	_ =	sdelay $0x3  }
0x22: {  	v6 =	vld [tilespmem:s17+$0x0]  }
0x23: {  	v7 =	vld [tilespmem:s17+$0x680];
	v5 =	vadd.s32 v4, v5;
	_ =	sdelay $0x1  }
0x24: {  	v8 =	vor.u32 s2, v1  }
0x25: {  	vm0 =	vlt.u32 v8, v0  }
0x26: {  	v6 =	vsel vm0, $0x0, v6  }
0x27: {  	v7 =	vsel vm0, $0x0, v7;
	[tilespmem:v5+s12+$0x0] =	vst.idx.add.f32.msk $0xffff, v6  }
0x28: {  	v6 =	vsel vm0, $0x0, v3;
	[tilespmem:v5+s13+$0x0] =	vst.idx.add.f32.msk $0xffff, v7  }
0x29: {  	s20 =	simm.s32 $0x10;
	[tilespmem:v5+s14+$0x0] =	vst.idx.add.f32.msk $0xffff, v6  }
0x2a: {  	v6 =	vld [tilespmem:s20+$0xD00]  }
0x2b: {  	s19 =	simm.s32 $0x80;
	s18 =	smov.u32 s2;
	s17 =	simm.s32 $0x0;
	v5 =	vld [tilespmem:s20+$0x680]  }
.LBB2_4:
0x2c: {  	p0 =	sne.s32 s19, $0x18C0;
	v7 =	vld [tilespmem:s20+$0x0];
	_ =	sdelay $0x2  }
0x2d: {  	v6 =	vadd.s32 v4, v6  }
0x2e: {  	s18 =	sadd.s32 $0x10, s18  }
0x2f: {  	v8 =	vor.u32 s18, v1  }
0x30: {  	vm0 =	vlt.u32 v8, v0  }
0x31: {  	v7 =	vsel vm0, $0x0, v7  }
.Ltmp1:
0x32: {  	v5 =	vsel vm0, $0x0, v5;
	[tilespmem:v6+s12+$0x0] =	vst.idx.add.f32.msk $0xffff, v7;
	(pc) =	sbr.rel @p0 .LBB2_4-.Ltmp1, $4  }
0x33: {  	v7 =	vsel vm0, $0x0, v3;
	[tilespmem:v6+s13+$0x0] =	vst.idx.add.f32.msk $0xffff, v5  }
0x34: {  	s20 =	sshra.s32 s19, $0x2;
	[tilespmem:v6+s14+$0x0] =	vst.idx.add.f32.msk $0xffff, v7  }
0x35: {  	v6 =	vld [tilespmem:s20+$0xD00]  }
0x36: {  	s19 =	sadd.s32 $0x40, s19;
	v5 =	vld [tilespmem:s20+$0x680]  }
0x37: {  	_ =	sdelay $0x1  }
0x38: {  	v7 =	vld [tilespmem:s20+$0x0]  }
0x39: {  	v6 =	vadd.s32 v4, v6  }
0x3a: {  	s18 =	sadd.s32 $0x10, s18  }
0x3b: {  	v8 =	vor.u32 s18, v1  }
0x3c: {  	vm0 =	vlt.u32 v8, v0  }
0x3d: {  	v7 =	vsel vm0, $0x0, v7  }
0x3e: {  	v5 =	vsel vm0, $0x0, v5;
	[tilespmem:v6+s12+$0x0] =	vst.idx.add.f32.msk $0xffff, v7  }
0x3f: {  	v7 =	vsel vm0, $0x0, v3;
	[tilespmem:v6+s13+$0x0] =	vst.idx.add.f32.msk $0xffff, v5  }
0x40: {  	s18 =	simm.s32 $0x0;
	[tilespmem:v6+s14+$0x0] =	vst.idx.add.f32.msk $0xffff, v7  }
.LBB2_6:
0x41: {  	s19 =	sadd.s32 $0x0, s17  }
0x42: {  	v6 =	vadd.s32 s19, v1;
	_ =	sdelay $0x3  }
0x43: {  	s21 =	sadd.s32 $0x81, s17  }
0x44: {  	v5 =	vimm.f32 $0.0e+00;
	s20 =	simm.s32 $0x102;
	s19 =	sshll.u32 s18, $0x4;
	v7 =	vadd.s32 s21, v1;
	v6 =	vld.idx.msk [tilespmem:v6+s12+$0x0], $0xffff  }
.LBB2_7:
0x45: {  	p0 =	sne.s32 s20, $0x78F  }
.Ltmp2:
0x46: {  	_ = 	snop;
	(pc) =	sbr.rel @p0 .LBB2_7-.Ltmp2, $3  }
0x47: {  	_ =	sdelay $0x1  }
0x48: {  	s21 =	sadd.s32 s20, s17;
	s20 =	sadd.s32 $0x81, s20;
	v5 =	vadd.f32 v6, v5;
	v6 =	vld.idx.msk [tilespmem:v7+s12+$0x0], $0xffff  }
0x49: {  	v7 =	vadd.s32 s21, v1  }
0x4a: {  	_ =	sdelay $0x3  }
0x4b: {  	v7 =	vld.idx.msk [tilespmem:v7+s12+$0x0], $0xffff;
	_ =	sdelay $0x1  }
0x4c: {  	s20 =	sadd.s32 $0x0, s17  }
0x4d: {  	v5 =	vadd.f32 v6, v5;
	v6 =	vadd.s32 s20, v1;
	_ =	sdelay $0x1  }
0x4e: {  	v5 =	vadd.f32 v7, v5;
	_ =	sdelay $0x1  }
0x4f: {  	s21 =	sadd.s32 $0x81, s17;
	[tilespmem:s19+$0x2D00] =	vst v5  }
0x50: {  	s20 =	simm.s32 $0x102;
	v7 =	vadd.s32 s21, v1;
	v5 =	vimm.f32 $0.0e+00;
	v6 =	vld.idx.msk [tilespmem:v6+s13+$0x0], $0xffff  }
.LBB2_9:
0x51: {  	p0 =	sne.s32 s20, $0x78F  }
.Ltmp3:
0x52: {  	_ = 	snop;
	(pc) =	sbr.rel @p0 .LBB2_9-.Ltmp3, $3  }
0x53: {  	_ =	sdelay $0x1  }
0x54: {  	s21 =	sadd.s32 s20, s17;
	s20 =	sadd.s32 $0x81, s20;
	v5 =	vadd.f32 v6, v5;
	v6 =	vld.idx.msk [tilespmem:v7+s13+$0x0], $0xffff  }
0x55: {  	v7 =	vadd.s32 s21, v1  }
0x56: {  	_ =	sdelay $0x3  }
0x57: {  	v7 =	vld.idx.msk [tilespmem:v7+s13+$0x0], $0xffff;
	_ =	sdelay $0x1  }
0x58: {  	s20 =	sadd.s32 $0x0, s17  }
0x59: {  	v5 =	vadd.f32 v6, v5;
	v6 =	vadd.s32 s20, v1;
	_ =	sdelay $0x1  }
0x5a: {  	v5 =	vadd.f32 v7, v5;
	_ =	sdelay $0x1  }
0x5b: {  	s21 =	sadd.s32 $0x81, s17;
	[tilespmem:s19+$0x2D80] =	vst v5  }
0x5c: {  	s20 =	simm.s32 $0x102;
	v7 =	vadd.s32 s21, v1;
	v5 =	vimm.f32 $0.0e+00;
	v6 =	vld.idx.msk [tilespmem:v6+s14+$0x0], $0xffff  }
.LBB2_11:
0x5d: {  	p0 =	sne.s32 s20, $0x78F  }
.Ltmp4:
0x5e: {  	_ = 	snop;
	(pc) =	sbr.rel @p0 .LBB2_11-.Ltmp4, $3  }
0x5f: {  	_ =	sdelay $0x1  }
0x60: {  	s21 =	sadd.s32 s20, s17;
	s20 =	sadd.s32 $0x81, s20;
	v5 =	vadd.f32 v6, v5;
	v6 =	vld.idx.msk [tilespmem:v7+s14+$0x0], $0xffff  }
0x61: {  	v7 =	vadd.s32 s21, v1  }
0x62: {  	_ =	sdelay $0x3  }
0x63: {  	v7 =	vld.idx.msk [tilespmem:v7+s14+$0x0], $0xffff  }
0x64: {  	s18 =	sadd.s32 $0x1, s18  }
0x65: {  	p0 =	sne.s32 s18, $0x8  }
.Ltmp5:
0x66: {  	v5 =	vadd.f32 v6, v5;
	(pc) =	sbr.rel @p0 .LBB2_6-.Ltmp5, $3  }
0x67: {  	_ = 	snop  }
0x68: {  	v5 =	vadd.f32 v7, v5;
	_ =	sdelay $0x1  }
0x69: {  	s17 =	sadd.s32 $0x10, s17;
	[tilespmem:s19+$0x2E00] =	vst v5  }
0x6a: {  	s16 =	sadd.s32 $0x1, s16  }
0x6b: {  	p0 =	sne.s32 s16, s8  }
.Ltmp6:
0x6c: {  	_ = 	snop;
	(pc) =	sbr.rel @p0 .LBB2_1-.Ltmp6, $4  }
0x6d: {  	[hbm4b:s7+s3] =	stream.linear.scatter [tilespmem:s15], [sflag:$0x1], $0x180, $0x38;
	[tilespmem:$0x2E80] =	vst v63  }
0x6e: {  	_ =	swait.ge [sflag:s9], $0x180  }
0x6f: {  	[sflag:s9] =	ssyncset.done $0x0  }
0x70: {  	[sflag:s9] =	ssyncadd.s32 $0xFFFFFE80  }
0x71: {  	_ =	sfence.sel $0x180000  }
0x72: {  	[bflag:$0x0] =	sbarrier.arrive $0xFFFF  }
0x73: {  	p0 =	sne.s32 s0, $0x0;
	_ =	strace $0x90000047  }
0x74: {  	s0 =	sadd.s32 @!p0 $0x100000, s1;
	[bflag:$0x2] =	sbarrier.arrive $0xFFFF  }
0x75: {  	[sflag:s0] =	ssyncadd.tile.s32 @!p0 $0x1;
	_ =	shalt  }
.Lfunc_end2:
_tile_overlayer_lowered:
.L_overlay_start_2:
0x76: {  	(tag) =	ssettag $0x2  }
0x77: {  	s0 =	rddreg [dreg:$0x0];
	s2 =	stileid.u32  }
0x78: {  	s1 =	rddreg [dreg:$0x1];
	p0 =	sne.s32 s2, $0x0  }
0x79: {  	s3 =	rddreg [dreg:$0x2];
	[bflag:$0x3] =	sbarrier.arrive $0xFFFF;
	s2 =	simm.s32 @!p0 $0x1C01  }
0x7a: {  	[timem:s3], [sflag:s2] =	dma.local @!p0 [hbm:s0], s1  }
0x7b: {  	s0 =	simm.s32 @!p0 $0x1  }
0x7c: {  	_ =	swait.ge @!p0 [sflag:s0], s1  }
0x7d: {  	s1 =	ssub.s32 @!p0 $0x0, s1;
	[sflag:s0] =	ssyncset.done @!p0 $0x0  }
0x7e: {  	[sflag:s0] =	ssyncadd.s32 @!p0 s1  }
0x7f: {  	[bflag:$0x3] =	sbarrier.arrive $0xFFFF  }
0x80: {  	_ =	shalt  }

</sc_bundles>
